<compile_context>
chip_gen: v7x
topology: tpu7x:2x2x1
jax: 0.10.2.dev20260603
libtpu: 0.0.44.dev20260713+nightly
codegen_flags: <defaults>
</compile_context>

<pallas_src>
import functools

import jax
import jax.numpy as jnp
from jax import lax
from jax.experimental import pallas as pl
from jax.experimental.pallas import tpu as pltpu
from jax.experimental.pallas import tpu_sc as plsc

_BATCH = 16384
_D = 256
_NC = 2
_NS = 16
_NW = _NC * _NS
_ROWS_PER_W = _BATCH // _NW
_R = 64
_CHUNKS = _ROWS_PER_W // _R


def _make_expand():
    mesh = plsc.VectorSubcoreMesh(core_axis_name="c", subcore_axis_name="s")

    @functools.partial(
        pl.kernel,
        mesh=mesh,
        out_type=jax.ShapeDtypeStruct((_BATCH, 1, _D), jnp.float32),
        scratch_types=[
            pltpu.VMEM((_R, 1, _D), jnp.float32),
            pltpu.SemaphoreType.DMA,
        ],
    )
    def expand(w_hbm, out_hbm, rows_v, wsem):
        wid = lax.axis_index("s") * _NC + lax.axis_index("c")
        base = wid * _ROWS_PER_W
        pltpu.sync_copy(w_hbm, rows_v.at[pl.ds(0, 1)])
        vs = [rows_v[0, 0, pl.ds(j * 16, 16)] for j in range(_D // 16)]

        def fill_row(r, carry):
            for j in range(_D // 16):
                rows_v[r, 0, pl.ds(j * 16, 16)] = vs[j]
            return carry

        lax.fori_loop(1, _R, fill_row, 0)
        copies = [
            pltpu.async_copy(rows_v, out_hbm.at[pl.ds(base + c * _R, _R)], wsem)
            for c in range(_CHUNKS)
        ]
        for cp in copies:
            cp.wait()

    return expand


_expand = _make_expand()


def kernel(W, image_size, batch_size):
    return _expand(W.reshape(1, 1, _D))

# --- scband reference (transcript-rebuilt; emitter-appended) ---
"""Pipeline reference for scband-ltse-38594576122234 (READ-ONLY COPY).

The authoritative reference and input builder live on the scoring server;
editing this copy changes nothing except your own understanding.
"""

import jax, jax.numpy as jnp
import numpy as np

EMBED_DIM = 256
BATCH_SIZE = 16384

def setup_inputs(seed: int = 0) -> dict:
    key = jax.random.key(seed)
    W = jax.random.normal(key, (1, EMBED_DIM), dtype=jnp.float32)
    return {"W": W, "image_size": 512, "batch_size": BATCH_SIZE}

def reference(W, image_size, batch_size):
    # LTSE.forward: self.LTSE_embed.weight.unsqueeze(0).expand(batch_size, -1, -1)
    # image_size is unused by the original module.
    out = jnp.broadcast_to(W[None, :, :], (BATCH_SIZE, W.shape[0], W.shape[1]))
    out = out + jnp.zeros((), dtype=out.dtype) * batch_size
    return out

if __name__ == "__main__":
    import jax
    _d = setup_inputs()
    print(jax.jit(kernel)(*tuple(_d.values())))

</pallas_src>

<mosaic_0001>
#map = affine_map<(d0, d1) -> (0, 0, 0)>
module attributes {stable_mosaic.version = 14 : i64} {
  func.func @expand(%arg0: i32, %arg1: i32, %arg2: memref<1x1x256xf32, #tpu.memory_space<hbm>>, %arg3: memref<16384x1x256xf32, #tpu.memory_space<hbm>>, %arg4: memref<64x1x256xf32, #tpu.memory_space<vmem>>, %arg5: memref<!tpu.dma_semaphore, #tpu.memory_space<semaphore_mem>>) attributes {dimension_semantics = [#tpu.dimension_semantics<core_parallel>, #tpu.dimension_semantics<subcore_parallel>], iteration_bounds = array<i64: 2, 16>, scalar_prefetch = 0 : i64, scratch_operands = 2 : i64, tpu.core_type = #tpu.core_type<sc_vector_subcore>, window_params = [{transform_indices = #map}, {transform_indices = #map}]} {
    %mul3A = arith.constant 2 : i32
    %mul3A_0 = arith.muli %arg1, %mul3A : i32
    %add3A = arith.addi %mul3A_0, %arg0 : i32
    %mul3A_1 = arith.constant 512 : i32
    %mul3A_2 = arith.muli %add3A, %mul3A_1 : i32
    "tpu.region"() ({
      %run_scoped3A = tpu.sem_alloc : memref<!tpu.dma_semaphore, #tpu.memory_space<semaphore_mem>>
      %dma_start3A_229 = arith.constant 0 : i32
      %dma_start3A_230 = arith.constant 0 : i32
      %dma_start3A_231 = arith.constant 0 : i32
      %dma_start3A_232 = tpu.memref_slice %arg4[%dma_start3A_229, %dma_start3A_230, %dma_start3A_231] : memref<64x1x256xf32, #tpu.memory_space<vmem>> -> memref<1x1x256xf32, #tpu.memory_space<vmem>>
      %dma_start3A_233 = arith.constant 0 : i32
      %dma_start3A_234 = arith.constant 0 : i32
      %dma_start3A_235 = arith.constant 0 : i32
      %dma_start3A_236 = tpu.memref_slice %arg4[%dma_start3A_233, %dma_start3A_234, %dma_start3A_235] : memref<64x1x256xf32, #tpu.memory_space<vmem>> -> memref<1x1x256xf32, #tpu.memory_space<vmem>>
      tpu.enqueue_dma source(%arg2 : memref<1x1x256xf32, #tpu.memory_space<hbm>>) target(%dma_start3A_236 : memref<1x1x256xf32, #tpu.memory_space<vmem>>) target_semaphore(%run_scoped3A : memref<!tpu.dma_semaphore, #tpu.memory_space<semaphore_mem>>)
      %dma_wait3A_237 = arith.constant 0 : i32
      %dma_wait3A_238 = arith.constant 0 : i32
      %dma_wait3A_239 = arith.constant 0 : i32
      %dma_wait3A_240 = tpu.memref_slice %arg4[%dma_wait3A_237, %dma_wait3A_238, %dma_wait3A_239] : memref<64x1x256xf32, #tpu.memory_space<vmem>> -> memref<1x1x256xf32, #tpu.memory_space<vmem>>
      %dma_wait3A_241 = arith.constant 0 : i32
      %dma_wait3A_242 = arith.constant 0 : i32
      %dma_wait3A_243 = arith.constant 0 : i32
      %dma_wait3A_244 = tpu.memref_slice %arg4[%dma_wait3A_241, %dma_wait3A_242, %dma_wait3A_243] : memref<64x1x256xf32, #tpu.memory_space<vmem>> -> memref<1x1x256xf32, #tpu.memory_space<vmem>>
      tpu.wait_dma2 semaphore(%run_scoped3A : memref<!tpu.dma_semaphore, #tpu.memory_space<semaphore_mem>>) src(%arg2 : memref<1x1x256xf32, #tpu.memory_space<hbm>>) dst(%dma_wait3A_244 : memref<1x1x256xf32, #tpu.memory_space<vmem>>)
      tpu.yield
    }) : () -> ()
    %get3A = arith.constant 0 : i32
    %get3A_3 = arith.constant 0 : i32
    %get3A_4 = arith.index_cast %get3A : i32 to index
    %get3A_5 = arith.index_cast %get3A_3 : i32 to index
    %get3A_6 = arith.constant 0 : index
    %get3A_7 = tpu.vector_load %arg4[%get3A_4, %get3A_5, %get3A_6] {strides = array<i32>} : memref<64x1x256xf32, #tpu.memory_space<vmem>>, vector<1x1x16xf32>,
    %get3A_8 = vector.shape_cast %get3A_7 : vector<1x1x16xf32> to vector<16xf32>
    %get3A_9 = arith.constant 0 : i32
    %get3A_10 = arith.constant 0 : i32
    %get3A_11 = arith.index_cast %get3A_9 : i32 to index
    %get3A_12 = arith.index_cast %get3A_10 : i32 to index
    %get3A_13 = arith.constant 16 : index
    %get3A_14 = tpu.vector_load %arg4[%get3A_11, %get3A_12, %get3A_13] {strides = array<i32>} : memref<64x1x256xf32, #tpu.memory_space<vmem>>, vector<1x1x16xf32>,
    %get3A_15 = vector.shape_cast %get3A_14 : vector<1x1x16xf32> to vector<16xf32>
    %get3A_16 = arith.constant 0 : i32
    %get3A_17 = arith.constant 0 : i32
    %get3A_18 = arith.index_cast %get3A_16 : i32 to index
    %get3A_19 = arith.index_cast %get3A_17 : i32 to index
    %get3A_20 = arith.constant 32 : index
    %get3A_21 = tpu.vector_load %arg4[%get3A_18, %get3A_19, %get3A_20] {strides = array<i32>} : memref<64x1x256xf32, #tpu.memory_space<vmem>>, vector<1x1x16xf32>,
    %get3A_22 = vector.shape_cast %get3A_21 : vector<1x1x16xf32> to vector<16xf32>
    %get3A_23 = arith.constant 0 : i32
    %get3A_24 = arith.constant 0 : i32
    %get3A_25 = arith.index_cast %get3A_23 : i32 to index
    %get3A_26 = arith.index_cast %get3A_24 : i32 to index
    %get3A_27 = arith.constant 48 : index
    %get3A_28 = tpu.vector_load %arg4[%get3A_25, %get3A_26, %get3A_27] {strides = array<i32>} : memref<64x1x256xf32, #tpu.memory_space<vmem>>, vector<1x1x16xf32>,
    %get3A_29 = vector.shape_cast %get3A_28 : vector<1x1x16xf32> to vector<16xf32>
    %get3A_30 = arith.constant 0 : i32
    %get3A_31 = arith.constant 0 : i32
    %get3A_32 = arith.index_cast %get3A_30 : i32 to index
    %get3A_33 = arith.index_cast %get3A_31 : i32 to index
    %get3A_34 = arith.constant 64 : index
    %get3A_35 = tpu.vector_load %arg4[%get3A_32, %get3A_33, %get3A_34] {strides = array<i32>} : memref<64x1x256xf32, #tpu.memory_space<vmem>>, vector<1x1x16xf32>,
    %get3A_36 = vector.shape_cast %get3A_35 : vector<1x1x16xf32> to vector<16xf32>
    %get3A_37 = arith.constant 0 : i32
    %get3A_38 = arith.constant 0 : i32
    %get3A_39 = arith.index_cast %get3A_37 : i32 to index
    %get3A_40 = arith.index_cast %get3A_38 : i32 to index
    %get3A_41 = arith.constant 80 : index
    %get3A_42 = tpu.vector_load %arg4[%get3A_39, %get3A_40, %get3A_41] {strides = array<i32>} : memref<64x1x256xf32, #tpu.memory_space<vmem>>, vector<1x1x16xf32>,
    %get3A_43 = vector.shape_cast %get3A_42 : vector<1x1x16xf32> to vector<16xf32>
    %get3A_44 = arith.constant 0 : i32
    %get3A_45 = arith.constant 0 : i32
    %get3A_46 = arith.index_cast %get3A_44 : i32 to index
    %get3A_47 = arith.index_cast %get3A_45 : i32 to index
    %get3A_48 = arith.constant 96 : index
    %get3A_49 = tpu.vector_load %arg4[%get3A_46, %get3A_47, %get3A_48] {strides = array<i32>} : memref<64x1x256xf32, #tpu.memory_space<vmem>>, vector<1x1x16xf32>,
    %get3A_50 = vector.shape_cast %get3A_49 : vector<1x1x16xf32> to vector<16xf32>
    %get3A_51 = arith.constant 0 : i32
    %get3A_52 = arith.constant 0 : i32
    %get3A_53 = arith.index_cast %get3A_51 : i32 to index
    %get3A_54 = arith.index_cast %get3A_52 : i32 to index
    %get3A_55 = arith.constant 112 : index
    %get3A_56 = tpu.vector_load %arg4[%get3A_53, %get3A_54, %get3A_55] {strides = array<i32>} : memref<64x1x256xf32, #tpu.memory_space<vmem>>, vector<1x1x16xf32>,
    %get3A_57 = vector.shape_cast %get3A_56 : vector<1x1x16xf32> to vector<16xf32>
    %get3A_58 = arith.constant 0 : i32
    %get3A_59 = arith.constant 0 : i32
    %get3A_60 = arith.index_cast %get3A_58 : i32 to index
    %get3A_61 = arith.index_cast %get3A_59 : i32 to index
    %get3A_62 = arith.constant 128 : index
    %get3A_63 = tpu.vector_load %arg4[%get3A_60, %get3A_61, %get3A_62] {strides = array<i32>} : memref<64x1x256xf32, #tpu.memory_space<vmem>>, vector<1x1x16xf32>,
    %get3A_64 = vector.shape_cast %get3A_63 : vector<1x1x16xf32> to vector<16xf32>
    %get3A_65 = arith.constant 0 : i32
    %get3A_66 = arith.constant 0 : i32
    %get3A_67 = arith.index_cast %get3A_65 : i32 to index
    %get3A_68 = arith.index_cast %get3A_66 : i32 to index
    %get3A_69 = arith.constant 144 : index
    %get3A_70 = tpu.vector_load %arg4[%get3A_67, %get3A_68, %get3A_69] {strides = array<i32>} : memref<64x1x256xf32, #tpu.memory_space<vmem>>, vector<1x1x16xf32>,
    %get3A_71 = vector.shape_cast %get3A_70 : vector<1x1x16xf32> to vector<16xf32>
    %get3A_72 = arith.constant 0 : i32
    %get3A_73 = arith.constant 0 : i32
    %get3A_74 = arith.index_cast %get3A_72 : i32 to index
    %get3A_75 = arith.index_cast %get3A_73 : i32 to index
    %get3A_76 = arith.constant 160 : index
    %get3A_77 = tpu.vector_load %arg4[%get3A_74, %get3A_75, %get3A_76] {strides = array<i32>} : memref<64x1x256xf32, #tpu.memory_space<vmem>>, vector<1x1x16xf32>,
    %get3A_78 = vector.shape_cast %get3A_77 : vector<1x1x16xf32> to vector<16xf32>
    %get3A_79 = arith.constant 0 : i32
    %get3A_80 = arith.constant 0 : i32
    %get3A_81 = arith.index_cast %get3A_79 : i32 to index
    %get3A_82 = arith.index_cast %get3A_80 : i32 to index
    %get3A_83 = arith.constant 176 : index
    %get3A_84 = tpu.vector_load %arg4[%get3A_81, %get3A_82, %get3A_83] {strides = array<i32>} : memref<64x1x256xf32, #tpu.memory_space<vmem>>, vector<1x1x16xf32>,
    %get3A_85 = vector.shape_cast %get3A_84 : vector<1x1x16xf32> to vector<16xf32>
    %get3A_86 = arith.constant 0 : i32
    %get3A_87 = arith.constant 0 : i32
    %get3A_88 = arith.index_cast %get3A_86 : i32 to index
    %get3A_89 = arith.index_cast %get3A_87 : i32 to index
    %get3A_90 = arith.constant 192 : index
    %get3A_91 = tpu.vector_load %arg4[%get3A_88, %get3A_89, %get3A_90] {strides = array<i32>} : memref<64x1x256xf32, #tpu.memory_space<vmem>>, vector<1x1x16xf32>,
    %get3A_92 = vector.shape_cast %get3A_91 : vector<1x1x16xf32> to vector<16xf32>
    %get3A_93 = arith.constant 0 : i32
    %get3A_94 = arith.constant 0 : i32
    %get3A_95 = arith.index_cast %get3A_93 : i32 to index
    %get3A_96 = arith.index_cast %get3A_94 : i32 to index
    %get3A_97 = arith.constant 208 : index
    %get3A_98 = tpu.vector_load %arg4[%get3A_95, %get3A_96, %get3A_97] {strides = array<i32>} : memref<64x1x256xf32, #tpu.memory_space<vmem>>, vector<1x1x16xf32>,
    %get3A_99 = vector.shape_cast %get3A_98 : vector<1x1x16xf32> to vector<16xf32>
    %get3A_100 = arith.constant 0 : i32
    %get3A_101 = arith.constant 0 : i32
    %get3A_102 = arith.index_cast %get3A_100 : i32 to index
    %get3A_103 = arith.index_cast %get3A_101 : i32 to index
    %get3A_104 = arith.constant 224 : index
    %get3A_105 = tpu.vector_load %arg4[%get3A_102, %get3A_103, %get3A_104] {strides = array<i32>} : memref<64x1x256xf32, #tpu.memory_space<vmem>>, vector<1x1x16xf32>,
    %get3A_106 = vector.shape_cast %get3A_105 : vector<1x1x16xf32> to vector<16xf32>
    %get3A_107 = arith.constant 0 : i32
    %get3A_108 = arith.constant 0 : i32
    %get3A_109 = arith.index_cast %get3A_107 : i32 to index
    %get3A_110 = arith.index_cast %get3A_108 : i32 to index
    %get3A_111 = arith.constant 240 : index
    %get3A_112 = tpu.vector_load %arg4[%get3A_109, %get3A_110, %get3A_111] {strides = array<i32>} : memref<64x1x256xf32, #tpu.memory_space<vmem>>, vector<1x1x16xf32>,
    %get3A_113 = vector.shape_cast %get3A_112 : vector<1x1x16xf32> to vector<16xf32>
    %scan3A = arith.constant 0 : i32
    %scan3A_114 = arith.constant 1 : i32
    %scan3A_115 = arith.constant 63 : i32
    %scan3A_116 = arith.addi %scan3A_114, %scan3A_115 : i32
    %scan3A_117 = arith.constant 1 : i32
    scf.for %scan3A_229 = %scan3A_114 to %scan3A_116 step %scan3A_117  : i32 {
      %swap3A = arith.constant 0 : i32
      %swap3A_230 = arith.index_cast %scan3A_229 : i32 to index
      %swap3A_231 = arith.index_cast %swap3A : i32 to index
      %swap3A_232 = arith.constant 0 : index
      %swap3A_233 = tpu.vector_load %arg4[%swap3A_230, %swap3A_231, %swap3A_232] {strides = array<i32>} : memref<64x1x256xf32, #tpu.memory_space<vmem>>, vector<1x1x16xf32>,
      %swap3A_234 = vector.shape_cast %swap3A_233 : vector<1x1x16xf32> to vector<16xf32>
      %swap3A_235 = vector.shape_cast %get3A_8 : vector<16xf32> to vector<1x1x16xf32>
      tpu.vector_store %arg4[%swap3A_230, %swap3A_231, %swap3A_232], %swap3A_235 {strides = array<i32>} : memref<64x1x256xf32, #tpu.memory_space<vmem>>, vector<1x1x16xf32>,
      %swap3A_236 = arith.constant 0 : i32
      %swap3A_237 = arith.index_cast %scan3A_229 : i32 to index
      %swap3A_238 = arith.index_cast %swap3A_236 : i32 to index
      %swap3A_239 = arith.constant 16 : index
      %swap3A_240 = tpu.vector_load %arg4[%swap3A_237, %swap3A_238, %swap3A_239] {strides = array<i32>} : memref<64x1x256xf32, #tpu.memory_space<vmem>>, vector<1x1x16xf32>,
      %swap3A_241 = vector.shape_cast %swap3A_240 : vector<1x1x16xf32> to vector<16xf32>
      %swap3A_242 = vector.shape_cast %get3A_15 : vector<16xf32> to vector<1x1x16xf32>
      tpu.vector_store %arg4[%swap3A_237, %swap3A_238, %swap3A_239], %swap3A_242 {strides = array<i32>} : memref<64x1x256xf32, #tpu.memory_space<vmem>>, vector<1x1x16xf32>,
      %swap3A_243 = arith.constant 0 : i32
      %swap3A_244 = arith.index_cast %scan3A_229 : i32 to index
      %swap3A_245 = arith.index_cast %swap3A_243 : i32 to index
      %swap3A_246 = arith.constant 32 : index
      %swap3A_247 = tpu.vector_load %arg4[%swap3A_244, %swap3A_245, %swap3A_246] {strides = array<i32>} : memref<64x1x256xf32, #tpu.memory_space<vmem>>, vector<1x1x16xf32>,
      %swap3A_248 = vector.shape_cast %swap3A_247 : vector<1x1x16xf32> to vector<16xf32>
      %swap3A_249 = vector.shape_cast %get3A_22 : vector<16xf32> to vector<1x1x16xf32>
      tpu.vector_store %arg4[%swap3A_244, %swap3A_245, %swap3A_246], %swap3A_249 {strides = array<i32>} : memref<64x1x256xf32, #tpu.memory_space<vmem>>, vector<1x1x16xf32>,
      %swap3A_250 = arith.constant 0 : i32
      %swap3A_251 = arith.index_cast %scan3A_229 : i32 to index
      %swap3A_252 = arith.index_cast %swap3A_250 : i32 to index
      %swap3A_253 = arith.constant 48 : index
      %swap3A_254 = tpu.vector_load %arg4[%swap3A_251, %swap3A_252, %swap3A_253] {strides = array<i32>} : memref<64x1x256xf32, #tpu.memory_space<vmem>>, vector<1x1x16xf32>,
      %swap3A_255 = vector.shape_cast %swap3A_254 : vector<1x1x16xf32> to vector<16xf32>
      %swap3A_256 = vector.shape_cast %get3A_29 : vector<16xf32> to vector<1x1x16xf32>
      tpu.vector_store %arg4[%swap3A_251, %swap3A_252, %swap3A_253], %swap3A_256 {strides = array<i32>} : memref<64x1x256xf32, #tpu.memory_space<vmem>>, vector<1x1x16xf32>,
      %swap3A_257 = arith.constant 0 : i32
      %swap3A_258 = arith.index_cast %scan3A_229 : i32 to index
      %swap3A_259 = arith.index_cast %swap3A_257 : i32 to index
      %swap3A_260 = arith.constant 64 : index
      %swap3A_261 = tpu.vector_load %arg4[%swap3A_258, %swap3A_259, %swap3A_260] {strides = array<i32>} : memref<64x1x256xf32, #tpu.memory_space<vmem>>, vector<1x1x16xf32>,
      %swap3A_262 = vector.shape_cast %swap3A_261 : vector<1x1x16xf32> to vector<16xf32>
      %swap3A_263 = vector.shape_cast %get3A_36 : vector<16xf32> to vector<1x1x16xf32>
      tpu.vector_store %arg4[%swap3A_258, %swap3A_259, %swap3A_260], %swap3A_263 {strides = array<i32>} : memref<64x1x256xf32, #tpu.memory_space<vmem>>, vector<1x1x16xf32>,
      %swap3A_264 = arith.constant 0 : i32
      %swap3A_265 = arith.index_cast %scan3A_229 : i32 to index
      %swap3A_266 = arith.index_cast %swap3A_264 : i32 to index
      %swap3A_267 = arith.constant 80 : index
      %swap3A_268 = tpu.vector_load %arg4[%swap3A_265, %swap3A_266, %swap3A_267] {strides = array<i32>} : memref<64x1x256xf32, #tpu.memory_space<vmem>>, vector<1x1x16xf32>,
      %swap3A_269 = vector.shape_cast %swap3A_268 : vector<1x1x16xf32> to vector<16xf32>
      %swap3A_270 = vector.shape_cast %get3A_43 : vector<16xf32> to vector<1x1x16xf32>
      tpu.vector_store %arg4[%swap3A_265, %swap3A_266, %swap3A_267], %swap3A_270 {strides = array<i32>} : memref<64x1x256xf32, #tpu.memory_space<vmem>>, vector<1x1x16xf32>,
      %swap3A_271 = arith.constant 0 : i32
      %swap3A_272 = arith.index_cast %scan3A_229 : i32 to index
      %swap3A_273 = arith.index_cast %swap3A_271 : i32 to index
      %swap3A_274 = arith.constant 96 : index
      %swap3A_275 = tpu.vector_load %arg4[%swap3A_272, %swap3A_273, %swap3A_274] {strides = array<i32>} : memref<64x1x256xf32, #tpu.memory_space<vmem>>, vector<1x1x16xf32>,
      %swap3A_276 = vector.shape_cast %swap3A_275 : vector<1x1x16xf32> to vector<16xf32>
      %swap3A_277 = vector.shape_cast %get3A_50 : vector<16xf32> to vector<1x1x16xf32>
      tpu.vector_store %arg4[%swap3A_272, %swap3A_273, %swap3A_274], %swap3A_277 {strides = array<i32>} : memref<64x1x256xf32, #tpu.memory_space<vmem>>, vector<1x1x16xf32>,
      %swap3A_278 = arith.constant 0 : i32
      %swap3A_279 = arith.index_cast %scan3A_229 : i32 to index
      %swap3A_280 = arith.index_cast %swap3A_278 : i32 to index
      %swap3A_281 = arith.constant 112 : index
      %swap3A_282 = tpu.vector_load %arg4[%swap3A_279, %swap3A_280, %swap3A_281] {strides = array<i32>} : memref<64x1x256xf32, #tpu.memory_space<vmem>>, vector<1x1x16xf32>,
      %swap3A_283 = vector.shape_cast %swap3A_282 : vector<1x1x16xf32> to vector<16xf32>
      %swap3A_284 = vector.shape_cast %get3A_57 : vector<16xf32> to vector<1x1x16xf32>
      tpu.vector_store %arg4[%swap3A_279, %swap3A_280, %swap3A_281], %swap3A_284 {strides = array<i32>} : memref<64x1x256xf32, #tpu.memory_space<vmem>>, vector<1x1x16xf32>,
      %swap3A_285 = arith.constant 0 : i32
      %swap3A_286 = arith.index_cast %scan3A_229 : i32 to index
      %swap3A_287 = arith.index_cast %swap3A_285 : i32 to index
      %swap3A_288 = arith.constant 128 : index
      %swap3A_289 = tpu.vector_load %arg4[%swap3A_286, %swap3A_287, %swap3A_288] {strides = array<i32>} : memref<64x1x256xf32, #tpu.memory_space<vmem>>, vector<1x1x16xf32>,
      %swap3A_290 = vector.shape_cast %swap3A_289 : vector<1x1x16xf32> to vector<16xf32>
      %swap3A_291 = vector.shape_cast %get3A_64 : vector<16xf32> to vector<1x1x16xf32>
      tpu.vector_store %arg4[%swap3A_286, %swap3A_287, %swap3A_288], %swap3A_291 {strides = array<i32>} : memref<64x1x256xf32, #tpu.memory_space<vmem>>, vector<1x1x16xf32>,
      %swap3A_292 = arith.constant 0 : i32
      %swap3A_293 = arith.index_cast %scan3A_229 : i32 to index
      %swap3A_294 = arith.index_cast %swap3A_292 : i32 to index
      %swap3A_295 = arith.constant 144 : index
      %swap3A_296 = tpu.vector_load %arg4[%swap3A_293, %swap3A_294, %swap3A_295] {strides = array<i32>} : memref<64x1x256xf32, #tpu.memory_space<vmem>>, vector<1x1x16xf32>,
      %swap3A_297 = vector.shape_cast %swap3A_296 : vector<1x1x16xf32> to vector<16xf32>
      %swap3A_298 = vector.shape_cast %get3A_71 : vector<16xf32> to vector<1x1x16xf32>
      tpu.vector_store %arg4[%swap3A_293, %swap3A_294, %swap3A_295], %swap3A_298 {strides = array<i32>} : memref<64x1x256xf32, #tpu.memory_space<vmem>>, vector<1x1x16xf32>,
      %swap3A_299 = arith.constant 0 : i32
      %swap3A_300 = arith.index_cast %scan3A_229 : i32 to index
      %swap3A_301 = arith.index_cast %swap3A_299 : i32 to index
      %swap3A_302 = arith.constant 160 : index
      %swap3A_303 = tpu.vector_load %arg4[%swap3A_300, %swap3A_301, %swap3A_302] {strides = array<i32>} : memref<64x1x256xf32, #tpu.memory_space<vmem>>, vector<1x1x16xf32>,
      %swap3A_304 = vector.shape_cast %swap3A_303 : vector<1x1x16xf32> to vector<16xf32>
      %swap3A_305 = vector.shape_cast %get3A_78 : vector<16xf32> to vector<1x1x16xf32>
      tpu.vector_store %arg4[%swap3A_300, %swap3A_301, %swap3A_302], %swap3A_305 {strides = array<i32>} : memref<64x1x256xf32, #tpu.memory_space<vmem>>, vector<1x1x16xf32>,
      %swap3A_306 = arith.constant 0 : i32
      %swap3A_307 = arith.index_cast %scan3A_229 : i32 to index
      %swap3A_308 = arith.index_cast %swap3A_306 : i32 to index
      %swap3A_309 = arith.constant 176 : index
      %swap3A_310 = tpu.vector_load %arg4[%swap3A_307, %swap3A_308, %swap3A_309] {strides = array<i32>} : memref<64x1x256xf32, #tpu.memory_space<vmem>>, vector<1x1x16xf32>,
      %swap3A_311 = vector.shape_cast %swap3A_310 : vector<1x1x16xf32> to vector<16xf32>
      %swap3A_312 = vector.shape_cast %get3A_85 : vector<16xf32> to vector<1x1x16xf32>
      tpu.vector_store %arg4[%swap3A_307, %swap3A_308, %swap3A_309], %swap3A_312 {strides = array<i32>} : memref<64x1x256xf32, #tpu.memory_space<vmem>>, vector<1x1x16xf32>,
      %swap3A_313 = arith.constant 0 : i32
      %swap3A_314 = arith.index_cast %scan3A_229 : i32 to index
      %swap3A_315 = arith.index_cast %swap3A_313 : i32 to index
      %swap3A_316 = arith.constant 192 : index
      %swap3A_317 = tpu.vector_load %arg4[%swap3A_314, %swap3A_315, %swap3A_316] {strides = array<i32>} : memref<64x1x256xf32, #tpu.memory_space<vmem>>, vector<1x1x16xf32>,
      %swap3A_318 = vector.shape_cast %swap3A_317 : vector<1x1x16xf32> to vector<16xf32>
      %swap3A_319 = vector.shape_cast %get3A_92 : vector<16xf32> to vector<1x1x16xf32>
      tpu.vector_store %arg4[%swap3A_314, %swap3A_315, %swap3A_316], %swap3A_319 {strides = array<i32>} : memref<64x1x256xf32, #tpu.memory_space<vmem>>, vector<1x1x16xf32>,
      %swap3A_320 = arith.constant 0 : i32
      %swap3A_321 = arith.index_cast %scan3A_229 : i32 to index
      %swap3A_322 = arith.index_cast %swap3A_320 : i32 to index
      %swap3A_323 = arith.constant 208 : index
      %swap3A_324 = tpu.vector_load %arg4[%swap3A_321, %swap3A_322, %swap3A_323] {strides = array<i32>} : memref<64x1x256xf32, #tpu.memory_space<vmem>>, vector<1x1x16xf32>,
      %swap3A_325 = vector.shape_cast %swap3A_324 : vector<1x1x16xf32> to vector<16xf32>
      %swap3A_326 = vector.shape_cast %get3A_99 : vector<16xf32> to vector<1x1x16xf32>
      tpu.vector_store %arg4[%swap3A_321, %swap3A_322, %swap3A_323], %swap3A_326 {strides = array<i32>} : memref<64x1x256xf32, #tpu.memory_space<vmem>>, vector<1x1x16xf32>,
      %swap3A_327 = arith.constant 0 : i32
      %swap3A_328 = arith.index_cast %scan3A_229 : i32 to index
      %swap3A_329 = arith.index_cast %swap3A_327 : i32 to index
      %swap3A_330 = arith.constant 224 : index
      %swap3A_331 = tpu.vector_load %arg4[%swap3A_328, %swap3A_329, %swap3A_330] {strides = array<i32>} : memref<64x1x256xf32, #tpu.memory_space<vmem>>, vector<1x1x16xf32>,
      %swap3A_332 = vector.shape_cast %swap3A_331 : vector<1x1x16xf32> to vector<16xf32>
      %swap3A_333 = vector.shape_cast %get3A_106 : vector<16xf32> to vector<1x1x16xf32>
      tpu.vector_store %arg4[%swap3A_328, %swap3A_329, %swap3A_330], %swap3A_333 {strides = array<i32>} : memref<64x1x256xf32, #tpu.memory_space<vmem>>, vector<1x1x16xf32>,
      %swap3A_334 = arith.constant 0 : i32
      %swap3A_335 = arith.index_cast %scan3A_229 : i32 to index
      %swap3A_336 = arith.index_cast %swap3A_334 : i32 to index
      %swap3A_337 = arith.constant 240 : index
      %swap3A_338 = tpu.vector_load %arg4[%swap3A_335, %swap3A_336, %swap3A_337] {strides = array<i32>} : memref<64x1x256xf32, #tpu.memory_space<vmem>>, vector<1x1x16xf32>,
      %swap3A_339 = vector.shape_cast %swap3A_338 : vector<1x1x16xf32> to vector<16xf32>
      %swap3A_340 = vector.shape_cast %get3A_113 : vector<16xf32> to vector<1x1x16xf32>
      tpu.vector_store %arg4[%swap3A_335, %swap3A_336, %swap3A_337], %swap3A_340 {strides = array<i32>} : memref<64x1x256xf32, #tpu.memory_space<vmem>>, vector<1x1x16xf32>,
    }
    %scan3A_118 = arith.constant 63 : i32
    %add3A_119 = arith.constant 0 : i32
    %add3A_120 = arith.addi %mul3A_2, %add3A_119 : i32
    %dma_start3A = arith.constant 0 : i32
    %dma_start3A_121 = arith.constant 0 : i32
    %dma_start3A_122 = tpu.memref_slice %arg3[%add3A_120, %dma_start3A, %dma_start3A_121] : memref<16384x1x256xf32, #tpu.memory_space<hbm>> -> memref<64x1x256xf32, #tpu.memory_space<hbm>>
    %dma_start3A_123 = arith.constant 0 : i32
    %dma_start3A_124 = arith.constant 0 : i32
    %dma_start3A_125 = tpu.memref_slice %arg3[%add3A_120, %dma_start3A_123, %dma_start3A_124] : memref<16384x1x256xf32, #tpu.memory_space<hbm>> -> memref<64x1x256xf32, #tpu.memory_space<hbm>>
    tpu.enqueue_dma source(%arg4 : memref<64x1x256xf32, #tpu.memory_space<vmem>>) target(%dma_start3A_125 : memref<64x1x256xf32, #tpu.memory_space<hbm>>) target_semaphore(%arg5 : memref<!tpu.dma_semaphore, #tpu.memory_space<semaphore_mem>>)
    %add3A_126 = arith.constant 64 : i32
    %add3A_127 = arith.addi %mul3A_2, %add3A_126 : i32
    %dma_start3A_128 = arith.constant 0 : i32
    %dma_start3A_129 = arith.constant 0 : i32
    %dma_start3A_130 = tpu.memref_slice %arg3[%add3A_127, %dma_start3A_128, %dma_start3A_129] : memref<16384x1x256xf32, #tpu.memory_space<hbm>> -> memref<64x1x256xf32, #tpu.memory_space<hbm>>
    %dma_start3A_131 = arith.constant 0 : i32
    %dma_start3A_132 = arith.constant 0 : i32
    %dma_start3A_133 = tpu.memref_slice %arg3[%add3A_127, %dma_start3A_131, %dma_start3A_132] : memref<16384x1x256xf32, #tpu.memory_space<hbm>> -> memref<64x1x256xf32, #tpu.memory_space<hbm>>
    tpu.enqueue_dma source(%arg4 : memref<64x1x256xf32, #tpu.memory_space<vmem>>) target(%dma_start3A_133 : memref<64x1x256xf32, #tpu.memory_space<hbm>>) target_semaphore(%arg5 : memref<!tpu.dma_semaphore, #tpu.memory_space<semaphore_mem>>)
    %add3A_134 = arith.constant 128 : i32
    %add3A_135 = arith.addi %mul3A_2, %add3A_134 : i32
    %dma_start3A_136 = arith.constant 0 : i32
    %dma_start3A_137 = arith.constant 0 : i32
    %dma_start3A_138 = tpu.memref_slice %arg3[%add3A_135, %dma_start3A_136, %dma_start3A_137] : memref<16384x1x256xf32, #tpu.memory_space<hbm>> -> memref<64x1x256xf32, #tpu.memory_space<hbm>>
    %dma_start3A_139 = arith.constant 0 : i32
    %dma_start3A_140 = arith.constant 0 : i32
    %dma_start3A_141 = tpu.memref_slice %arg3[%add3A_135, %dma_start3A_139, %dma_start3A_140] : memref<16384x1x256xf32, #tpu.memory_space<hbm>> -> memref<64x1x256xf32, #tpu.memory_space<hbm>>
    tpu.enqueue_dma source(%arg4 : memref<64x1x256xf32, #tpu.memory_space<vmem>>) target(%dma_start3A_141 : memref<64x1x256xf32, #tpu.memory_space<hbm>>) target_semaphore(%arg5 : memref<!tpu.dma_semaphore, #tpu.memory_space<semaphore_mem>>)
    %add3A_142 = arith.constant 192 : i32
    %add3A_143 = arith.addi %mul3A_2, %add3A_142 : i32
    %dma_start3A_144 = arith.constant 0 : i32
    %dma_start3A_145 = arith.constant 0 : i32
    %dma_start3A_146 = tpu.memref_slice %arg3[%add3A_143, %dma_start3A_144, %dma_start3A_145] : memref<16384x1x256xf32, #tpu.memory_space<hbm>> -> memref<64x1x256xf32, #tpu.memory_space<hbm>>
    %dma_start3A_147 = arith.constant 0 : i32
    %dma_start3A_148 = arith.constant 0 : i32
    %dma_start3A_149 = tpu.memref_slice %arg3[%add3A_143, %dma_start3A_147, %dma_start3A_148] : memref<16384x1x256xf32, #tpu.memory_space<hbm>> -> memref<64x1x256xf32, #tpu.memory_space<hbm>>
    tpu.enqueue_dma source(%arg4 : memref<64x1x256xf32, #tpu.memory_space<vmem>>) target(%dma_start3A_149 : memref<64x1x256xf32, #tpu.memory_space<hbm>>) target_semaphore(%arg5 : memref<!tpu.dma_semaphore, #tpu.memory_space<semaphore_mem>>)
    %add3A_150 = arith.constant 256 : i32
    %add3A_151 = arith.addi %mul3A_2, %add3A_150 : i32
    %dma_start3A_152 = arith.constant 0 : i32
    %dma_start3A_153 = arith.constant 0 : i32
    %dma_start3A_154 = tpu.memref_slice %arg3[%add3A_151, %dma_start3A_152, %dma_start3A_153] : memref<16384x1x256xf32, #tpu.memory_space<hbm>> -> memref<64x1x256xf32, #tpu.memory_space<hbm>>
    %dma_start3A_155 = arith.constant 0 : i32
    %dma_start3A_156 = arith.constant 0 : i32
    %dma_start3A_157 = tpu.memref_slice %arg3[%add3A_151, %dma_start3A_155, %dma_start3A_156] : memref<16384x1x256xf32, #tpu.memory_space<hbm>> -> memref<64x1x256xf32, #tpu.memory_space<hbm>>
    tpu.enqueue_dma source(%arg4 : memref<64x1x256xf32, #tpu.memory_space<vmem>>) target(%dma_start3A_157 : memref<64x1x256xf32, #tpu.memory_space<hbm>>) target_semaphore(%arg5 : memref<!tpu.dma_semaphore, #tpu.memory_space<semaphore_mem>>)
    %add3A_158 = arith.constant 320 : i32
    %add3A_159 = arith.addi %mul3A_2, %add3A_158 : i32
    %dma_start3A_160 = arith.constant 0 : i32
    %dma_start3A_161 = arith.constant 0 : i32
    %dma_start3A_162 = tpu.memref_slice %arg3[%add3A_159, %dma_start3A_160, %dma_start3A_161] : memref<16384x1x256xf32, #tpu.memory_space<hbm>> -> memref<64x1x256xf32, #tpu.memory_space<hbm>>
    %dma_start3A_163 = arith.constant 0 : i32
    %dma_start3A_164 = arith.constant 0 : i32
    %dma_start3A_165 = tpu.memref_slice %arg3[%add3A_159, %dma_start3A_163, %dma_start3A_164] : memref<16384x1x256xf32, #tpu.memory_space<hbm>> -> memref<64x1x256xf32, #tpu.memory_space<hbm>>
    tpu.enqueue_dma source(%arg4 : memref<64x1x256xf32, #tpu.memory_space<vmem>>) target(%dma_start3A_165 : memref<64x1x256xf32, #tpu.memory_space<hbm>>) target_semaphore(%arg5 : memref<!tpu.dma_semaphore, #tpu.memory_space<semaphore_mem>>)
    %add3A_166 = arith.constant 384 : i32
    %add3A_167 = arith.addi %mul3A_2, %add3A_166 : i32
    %dma_start3A_168 = arith.constant 0 : i32
    %dma_start3A_169 = arith.constant 0 : i32
    %dma_start3A_170 = tpu.memref_slice %arg3[%add3A_167, %dma_start3A_168, %dma_start3A_169] : memref<16384x1x256xf32, #tpu.memory_space<hbm>> -> memref<64x1x256xf32, #tpu.memory_space<hbm>>
    %dma_start3A_171 = arith.constant 0 : i32
    %dma_start3A_172 = arith.constant 0 : i32
    %dma_start3A_173 = tpu.memref_slice %arg3[%add3A_167, %dma_start3A_171, %dma_start3A_172] : memref<16384x1x256xf32, #tpu.memory_space<hbm>> -> memref<64x1x256xf32, #tpu.memory_space<hbm>>
    tpu.enqueue_dma source(%arg4 : memref<64x1x256xf32, #tpu.memory_space<vmem>>) target(%dma_start3A_173 : memref<64x1x256xf32, #tpu.memory_space<hbm>>) target_semaphore(%arg5 : memref<!tpu.dma_semaphore, #tpu.memory_space<semaphore_mem>>)
    %add3A_174 = arith.constant 448 : i32
    %add3A_175 = arith.addi %mul3A_2, %add3A_174 : i32
    %dma_start3A_176 = arith.constant 0 : i32
    %dma_start3A_177 = arith.constant 0 : i32
    %dma_start3A_178 = tpu.memref_slice %arg3[%add3A_175, %dma_start3A_176, %dma_start3A_177] : memref<16384x1x256xf32, #tpu.memory_space<hbm>> -> memref<64x1x256xf32, #tpu.memory_space<hbm>>
    %dma_start3A_179 = arith.constant 0 : i32
    %dma_start3A_180 = arith.constant 0 : i32
    %dma_start3A_181 = tpu.memref_slice %arg3[%add3A_175, %dma_start3A_179, %dma_start3A_180] : memref<16384x1x256xf32, #tpu.memory_space<hbm>> -> memref<64x1x256xf32, #tpu.memory_space<hbm>>
    tpu.enqueue_dma source(%arg4 : memref<64x1x256xf32, #tpu.memory_space<vmem>>) target(%dma_start3A_181 : memref<64x1x256xf32, #tpu.memory_space<hbm>>) target_semaphore(%arg5 : memref<!tpu.dma_semaphore, #tpu.memory_space<semaphore_mem>>)
    %dma_wait3A = arith.constant 0 : i32
    %dma_wait3A_182 = arith.constant 0 : i32
    %dma_wait3A_183 = tpu.memref_slice %arg3[%add3A_120, %dma_wait3A, %dma_wait3A_182] : memref<16384x1x256xf32, #tpu.memory_space<hbm>> -> memref<64x1x256xf32, #tpu.memory_space<hbm>>
    %dma_wait3A_184 = arith.constant 0 : i32
    %dma_wait3A_185 = arith.constant 0 : i32
    %dma_wait3A_186 = tpu.memref_slice %arg3[%add3A_120, %dma_wait3A_184, %dma_wait3A_185] : memref<16384x1x256xf32, #tpu.memory_space<hbm>> -> memref<64x1x256xf32, #tpu.memory_space<hbm>>
    tpu.wait_dma2 semaphore(%arg5 : memref<!tpu.dma_semaphore, #tpu.memory_space<semaphore_mem>>) src(%arg4 : memref<64x1x256xf32, #tpu.memory_space<vmem>>) dst(%dma_wait3A_186 : memref<64x1x256xf32, #tpu.memory_space<hbm>>)
    %dma_wait3A_187 = arith.constant 0 : i32
    %dma_wait3A_188 = arith.constant 0 : i32
    %dma_wait3A_189 = tpu.memref_slice %arg3[%add3A_127, %dma_wait3A_187, %dma_wait3A_188] : memref<16384x1x256xf32, #tpu.memory_space<hbm>> -> memref<64x1x256xf32, #tpu.memory_space<hbm>>
    %dma_wait3A_190 = arith.constant 0 : i32
    %dma_wait3A_191 = arith.constant 0 : i32
    %dma_wait3A_192 = tpu.memref_slice %arg3[%add3A_127, %dma_wait3A_190, %dma_wait3A_191] : memref<16384x1x256xf32, #tpu.memory_space<hbm>> -> memref<64x1x256xf32, #tpu.memory_space<hbm>>
    tpu.wait_dma2 semaphore(%arg5 : memref<!tpu.dma_semaphore, #tpu.memory_space<semaphore_mem>>) src(%arg4 : memref<64x1x256xf32, #tpu.memory_space<vmem>>) dst(%dma_wait3A_192 : memref<64x1x256xf32, #tpu.memory_space<hbm>>)
    %dma_wait3A_193 = arith.constant 0 : i32
    %dma_wait3A_194 = arith.constant 0 : i32
    %dma_wait3A_195 = tpu.memref_slice %arg3[%add3A_135, %dma_wait3A_193, %dma_wait3A_194] : memref<16384x1x256xf32, #tpu.memory_space<hbm>> -> memref<64x1x256xf32, #tpu.memory_space<hbm>>
    %dma_wait3A_196 = arith.constant 0 : i32
    %dma_wait3A_197 = arith.constant 0 : i32
    %dma_wait3A_198 = tpu.memref_slice %arg3[%add3A_135, %dma_wait3A_196, %dma_wait3A_197] : memref<16384x1x256xf32, #tpu.memory_space<hbm>> -> memref<64x1x256xf32, #tpu.memory_space<hbm>>
    tpu.wait_dma2 semaphore(%arg5 : memref<!tpu.dma_semaphore, #tpu.memory_space<semaphore_mem>>) src(%arg4 : memref<64x1x256xf32, #tpu.memory_space<vmem>>) dst(%dma_wait3A_198 : memref<64x1x256xf32, #tpu.memory_space<hbm>>)
    %dma_wait3A_199 = arith.constant 0 : i32
    %dma_wait3A_200 = arith.constant 0 : i32
    %dma_wait3A_201 = tpu.memref_slice %arg3[%add3A_143, %dma_wait3A_199, %dma_wait3A_200] : memref<16384x1x256xf32, #tpu.memory_space<hbm>> -> memref<64x1x256xf32, #tpu.memory_space<hbm>>
    %dma_wait3A_202 = arith.constant 0 : i32
    %dma_wait3A_203 = arith.constant 0 : i32
    %dma_wait3A_204 = tpu.memref_slice %arg3[%add3A_143, %dma_wait3A_202, %dma_wait3A_203] : memref<16384x1x256xf32, #tpu.memory_space<hbm>> -> memref<64x1x256xf32, #tpu.memory_space<hbm>>
    tpu.wait_dma2 semaphore(%arg5 : memref<!tpu.dma_semaphore, #tpu.memory_space<semaphore_mem>>) src(%arg4 : memref<64x1x256xf32, #tpu.memory_space<vmem>>) dst(%dma_wait3A_204 : memref<64x1x256xf32, #tpu.memory_space<hbm>>)
    %dma_wait3A_205 = arith.constant 0 : i32
    %dma_wait3A_206 = arith.constant 0 : i32
    %dma_wait3A_207 = tpu.memref_slice %arg3[%add3A_151, %dma_wait3A_205, %dma_wait3A_206] : memref<16384x1x256xf32, #tpu.memory_space<hbm>> -> memref<64x1x256xf32, #tpu.memory_space<hbm>>
    %dma_wait3A_208 = arith.constant 0 : i32
    %dma_wait3A_209 = arith.constant 0 : i32
    %dma_wait3A_210 = tpu.memref_slice %arg3[%add3A_151, %dma_wait3A_208, %dma_wait3A_209] : memref<16384x1x256xf32, #tpu.memory_space<hbm>> -> memref<64x1x256xf32, #tpu.memory_space<hbm>>
    tpu.wait_dma2 semaphore(%arg5 : memref<!tpu.dma_semaphore, #tpu.memory_space<semaphore_mem>>) src(%arg4 : memref<64x1x256xf32, #tpu.memory_space<vmem>>) dst(%dma_wait3A_210 : memref<64x1x256xf32, #tpu.memory_space<hbm>>)
    %dma_wait3A_211 = arith.constant 0 : i32
    %dma_wait3A_212 = arith.constant 0 : i32
    %dma_wait3A_213 = tpu.memref_slice %arg3[%add3A_159, %dma_wait3A_211, %dma_wait3A_212] : memref<16384x1x256xf32, #tpu.memory_space<hbm>> -> memref<64x1x256xf32, #tpu.memory_space<hbm>>
    %dma_wait3A_214 = arith.constant 0 : i32
    %dma_wait3A_215 = arith.constant 0 : i32
    %dma_wait3A_216 = tpu.memref_slice %arg3[%add3A_159, %dma_wait3A_214, %dma_wait3A_215] : memref<16384x1x256xf32, #tpu.memory_space<hbm>> -> memref<64x1x256xf32, #tpu.memory_space<hbm>>
    tpu.wait_dma2 semaphore(%arg5 : memref<!tpu.dma_semaphore, #tpu.memory_space<semaphore_mem>>) src(%arg4 : memref<64x1x256xf32, #tpu.memory_space<vmem>>) dst(%dma_wait3A_216 : memref<64x1x256xf32, #tpu.memory_space<hbm>>)
    %dma_wait3A_217 = arith.constant 0 : i32
    %dma_wait3A_218 = arith.constant 0 : i32
    %dma_wait3A_219 = tpu.memref_slice %arg3[%add3A_167, %dma_wait3A_217, %dma_wait3A_218] : memref<16384x1x256xf32, #tpu.memory_space<hbm>> -> memref<64x1x256xf32, #tpu.memory_space<hbm>>
    %dma_wait3A_220 = arith.constant 0 : i32
    %dma_wait3A_221 = arith.constant 0 : i32
    %dma_wait3A_222 = tpu.memref_slice %arg3[%add3A_167, %dma_wait3A_220, %dma_wait3A_221] : memref<16384x1x256xf32, #tpu.memory_space<hbm>> -> memref<64x1x256xf32, #tpu.memory_space<hbm>>
    tpu.wait_dma2 semaphore(%arg5 : memref<!tpu.dma_semaphore, #tpu.memory_space<semaphore_mem>>) src(%arg4 : memref<64x1x256xf32, #tpu.memory_space<vmem>>) dst(%dma_wait3A_222 : memref<64x1x256xf32, #tpu.memory_space<hbm>>)
    %dma_wait3A_223 = arith.constant 0 : i32
    %dma_wait3A_224 = arith.constant 0 : i32
    %dma_wait3A_225 = tpu.memref_slice %arg3[%add3A_175, %dma_wait3A_223, %dma_wait3A_224] : memref<16384x1x256xf32, #tpu.memory_space<hbm>> -> memref<64x1x256xf32, #tpu.memory_space<hbm>>
    %dma_wait3A_226 = arith.constant 0 : i32
    %dma_wait3A_227 = arith.constant 0 : i32
    %dma_wait3A_228 = tpu.memref_slice %arg3[%add3A_175, %dma_wait3A_226, %dma_wait3A_227] : memref<16384x1x256xf32, #tpu.memory_space<hbm>> -> memref<64x1x256xf32, #tpu.memory_space<hbm>>
    tpu.wait_dma2 semaphore(%arg5 : memref<!tpu.dma_semaphore, #tpu.memory_space<semaphore_mem>>) src(%arg4 : memref<64x1x256xf32, #tpu.memory_space<vmem>>) dst(%dma_wait3A_228 : memref<64x1x256xf32, #tpu.memory_space<hbm>>)
    return
  }
}

</mosaic_0001>

<sc_bundles>
// kernel: kernel.3.cloned.1.call-start
scs
__scs_entry_jumppad:
0x0: {  	(pc) =	sbr.rel $0x88, $3  }
0x1: {  	(tag) =	ssettag $0x0;
	lr =	simm.s32 $0x1  }
0x2: {  	[smem:$0x3FA0] =	sst lr;
	_ =	strace $0xD0000000  }
0x3: {  	_ = 	snop  }
0x4: {  	_ = 	snop  }
0x5: {  	_ = 	snop  }
0x6: {  	_ = 	snop  }
0x7: {  	_ = 	snop  }
__scs_overlays_trampoline_lowered:
0x8: {  	[smem:$0x3FAF] =	sst s0  }
0x9: {  	[smem:$0x3FB0] =	sst s1  }
0xa: {  	[smem:$0x3FB1] =	sst s2  }
0xb: {  	[smem:$0x3FB2] =	sst s3  }
0xc: {  	[smem:$0x3FB3] =	sst s4  }
0xd: {  	[smem:$0x3FB4] =	sst s5  }
0xe: {  	[smem:$0x3FB5] =	sst s6  }
0xf: {  	[smem:$0x3FB6] =	sst s7  }
0x10: {  	[smem:$0x3FB7] =	sst s8  }
0x11: {  	[smem:$0x3FB8] =	sst s9;
	s0 =	simm.s32 @!p0 $0x0  }
0x12: {  	s1 =	sld [smem:$0x3F9E];
	s0 =	simm.s32 @p0 $0x1  }
0x13: {  	[smem:$0x3FB9] =	sst s0;
	s0 =	simm.s32 @!p1 $0x0  }
0x14: {  	s2 =	sld [smem:$0x3F9D];
	s0 =	simm.s32 @p1 $0x1  }
0x15: {  	[smem:$0x3FBA] =	sst s0;
	s0 =	simm.s32 @!p2 $0x0  }
0x16: {  	s3 =	sld [smem:$0x3FDB];
	s0 =	simm.s32 @p2 $0x1  }
0x17: {  	s4 =	simm.s32 $0x1BF5;
	[smem:$0x3FBC] =	sst s0  }
0x18: {  	s0 =	sld [smem:$0x3F9F];
	_ =	swait.ge [sflag:s4], $0x0  }
0x19: {  	s7 =	sld [smem:$0x3FA0]  }
0x1a: {  	s8 =	sadd.s32 $0xFFFFE003, lr  }
0x1b: {  	s9 =	sadd.s32 $0xFFFFFEF7, lr;
	s5 =	simm.s32 $0xFFFFFFFF;
	p2 =	slt.u32 s8, $0xFFFFF086  }
0x1c: {  	p1 =	slt.u32 s9, $0xF7A;
	s5 =	simm.s32 @!p2 $0x0  }
0x1d: {  	s5 =	simm.s32 @p1 $0x1;
	p0 =	seq.s32 s7, s2  }
0x1e: {  	s7 =	smul.u32 @!p0 $0xF7A, s2;
	p2 =	seq.s32 @!p0 s5, $0x0  }
0x1f: {  	s9 =	smul.u32 $0xF7A, s1;
	s8 =	simm.s32 @!p0 $0x1BF5;
	p2 =	por !p2, p0  }
0x20: {  	[sflag:s8] =	ssyncset.s32 @!p0 $0xFFFFF086;
	s6 =	sadd.s32 @!p0 s3, s7;
	s7 =	simm.s32 @!p0 $0x108  }
0x21: {  	s3 =	sadd.s32 s3, s9;
	s6 =	sadd.s32 @!p0 $0x88, s6;
	s7 =	simm.s32 @p2 $0x1082  }
0x22: {  	[simem:s7], [sflag:s8] =	dma.local @!p0 [hbm:s6], $0xF7A  }
0x23: {  	s9 =	sor.u32 $0xD0000000, s2;
	s6 =	simm.s32 $0x108;
	_ =	swait.ge @!p0 [sflag:s8], $0x0  }
0x24: {  	s3 =	sadd.s32 $0x88, s3;
	s6 =	simm.s32 @!p1 $0x1082;
	[sflag:s4] =	ssyncset.s32 $0xFFFFF086  }
0x25: {  	[simem:s6], [sflag:s4] =	dma.local [hbm:s3], $0xF7A  }
0x26: {  	[smem:$0x3FA0] =	sst s1;
	(tag) =	ssettag s2;
	_ =	strace s9  }
0x27: {  	s1 =	sld [smem:$0x3FB0]  }
0x28: {  	s2 =	sld [smem:$0x3FB1]  }
0x29: {  	s4 =	sld [smem:$0x3FB3]  }
0x2a: {  	p0 =	seq.s32 s5, $0x0;
	s5 =	sld [smem:$0x3FB4]  }
0x2b: {  	s6 =	sld [smem:$0x3FB5]  }
0x2c: {  	s7 =	sld [smem:$0x3FB6]  }
0x2d: {  	s3 =	simm.s32 $0x108;
	s8 =	sld [smem:$0x3FB7]  }
0x2e: {  	s3 =	simm.s32 @!p0 $0x1082;
	s9 =	sld [smem:$0x3FB8]  }
0x2f: {  	lr =	sadd.s32 s0, s3;
	s0 =	sld [smem:$0x3FAF]  }
0x30: {  	s3 =	sld [smem:$0x3FB2]  }
0x31: {  	[smem:$0x3FBB] =	sst s10  }
0x32: {  	s10 =	sld [smem:$0x3FB9];
	_ =	sdelay $0x3  }
0x33: {  	p0 =	seq.s32 s10, $0x1;
	s10 =	sld [smem:$0x3FBB];
	_ =	sdelay $0x3  }
0x34: {  	[smem:$0x3FBB] =	sst s10  }
0x35: {  	s10 =	sld [smem:$0x3FBA];
	_ =	sdelay $0x3  }
0x36: {  	p1 =	seq.s32 s10, $0x1;
	s10 =	sld [smem:$0x3FBB];
	_ =	sdelay $0x3  }
0x37: {  	[smem:$0x3FBB] =	sst s10  }
0x38: {  	s10 =	sld [smem:$0x3FBC]  }
0x39: {  	_ = 	snop;
	(pc) =	sbr.ind lr, $3  }
0x3a: {  	_ = 	snop  }
0x3b: {  	_ = 	snop  }
0x3c: {  	p2 =	seq.s32 s10, $0x1;
	s10 =	sld [smem:$0x3FBB]  }
0x3d: {  	_ =	shalt  }
0x3e: {  	_ =	shalt  }
0x3f: {  	_ =	shalt  }
0x40: {  	_ =	shalt  }
0x41: {  	_ =	shalt  }
0x42: {  	_ =	shalt  }
0x43: {  	_ =	shalt  }
0x44: {  	_ =	shalt  }
0x45: {  	_ =	shalt  }
0x46: {  	_ =	shalt  }
0x47: {  	_ =	shalt  }
0x48: {  	_ =	shalt  }
0x49: {  	_ =	shalt  }
0x4a: {  	_ =	shalt  }
0x4b: {  	_ =	shalt  }
0x4c: {  	_ =	shalt  }
0x4d: {  	_ =	shalt  }
0x4e: {  	_ =	shalt  }
0x4f: {  	_ =	shalt  }
0x50: {  	_ =	shalt  }
0x51: {  	_ =	shalt  }
0x52: {  	_ =	shalt  }
0x53: {  	_ =	shalt  }
0x54: {  	_ =	shalt  }
0x55: {  	_ =	shalt  }
0x56: {  	_ =	shalt  }
0x57: {  	_ =	shalt  }
0x58: {  	_ =	shalt  }
0x59: {  	_ =	shalt  }
0x5a: {  	_ =	shalt  }
0x5b: {  	_ =	shalt  }
0x5c: {  	_ =	shalt  }
0x5d: {  	_ =	shalt  }
0x5e: {  	_ =	shalt  }
0x5f: {  	_ =	shalt  }
0x60: {  	_ =	shalt  }
0x61: {  	_ =	shalt  }
0x62: {  	_ =	shalt  }
0x63: {  	_ =	shalt  }
0x64: {  	_ =	shalt  }
0x65: {  	_ =	shalt  }
0x66: {  	_ =	shalt  }
0x67: {  	_ =	shalt  }
0x68: {  	_ =	shalt  }
0x69: {  	_ =	shalt  }
0x6a: {  	_ =	shalt  }
0x6b: {  	_ =	shalt  }
0x6c: {  	_ =	shalt  }
0x6d: {  	_ =	shalt  }
0x6e: {  	_ =	shalt  }
0x6f: {  	_ =	shalt  }
0x70: {  	_ =	shalt  }
0x71: {  	_ =	shalt  }
0x72: {  	_ =	shalt  }
0x73: {  	_ =	shalt  }
0x74: {  	_ =	shalt  }
0x75: {  	_ =	shalt  }
0x76: {  	_ =	shalt  }
0x77: {  	_ =	shalt  }
0x78: {  	_ =	shalt  }
0x79: {  	_ =	shalt  }
0x7a: {  	_ =	shalt  }
0x7b: {  	_ =	shalt  }
0x7c: {  	_ =	shalt  }
0x7d: {  	_ =	shalt  }
0x7e: {  	_ =	shalt  }
0x7f: {  	_ =	shalt  }
0x80: {  	_ =	shalt  }
0x81: {  	_ =	shalt  }
0x82: {  	_ =	shalt  }
0x83: {  	_ =	shalt  }
0x84: {  	_ =	shalt  }
0x85: {  	_ =	shalt  }
0x86: {  	_ =	shalt  }
0x87: {  	_ =	shalt  }
.Lfunc_end0:
.L_simem_size_0:
called_computation_lowered:
.L_overlay_start_0:
0x88: {  	s2 =	sld [smem:$0x3FD9]  }
0x89: {  	s3 =	sld [smem:$0x3FFE];
	_ =	sdelay $0x1  }
0x8a: {  	s1 =	srdreg.scid  }
0x8b: {  	s0 =	sand.u32 $0x1, s1  }
0x8c: {  	s18 =	sshll.u32 s0, $0xA;
	s2 =	sadd.s32 s3, s2  }
0x8d: {  	s2 =	sadd.s32 s2, s18  }
0x8e: {  	[smem:$0x3FC7] =	sst s2  }
0x8f: {  	_ = 	snop  }
0x90: {  	s2 =	sld [smem:$0x3FC9]  }
0x91: {  	s19 =	sld [smem:$0x3FD0];
	(tm) =	ssettm $0x1  }
0x92: {  	s4 =	sld [smem:$0x3FFB];
	_ =	sdelay $0x3  }
0x93: {  	_ =	strace s4  }
0x94: {  	s4 =	sld [smem:$0x3FFC];
	_ =	sdelay $0x3  }
0x95: {  	_ =	strace s4  }
0x96: {  	s4 =	sld [smem:$0x3FFD];
	_ =	sdelay $0x3  }
0x97: {  	_ =	strace s4  }
0x98: {  	_ =	strace $0x8FFFFFFF  }
0x99: {  	s20 =	sld [smem:$0x3FDB];
	_ =	sdelay $0x1  }
0x9a: {  	s5 =	simm.s32 $_scs_section_size  }
0x9b: {  	s6 =	simm.s32 $_size__tile_overlayer_lowered;
	s7 =	simm.s32 $_tile_overlayer_lowered  }
0x9c: {  	s23 =	simm.s32 $0x1BFF;
	s22 =	sshll.u32 s7, $0x1;
	s4 =	sadd.s32 s5, s20  }
0x9d: {  	s8 =	simm.s32 $0x0;
	s21 =	sshll.u32 s6, $0x1;
	s6 =	sadd.s32 s22, s4  }
0x9e: {  	[timem:s8], [sflag:s23] =	dma.local [hbm:s6], s21  }
0x9f: {  	_ =	swait.ge [sflag:s23], s21  }
0xa0: {  	s5 =	ssub.s32 $0x0, s21;
	[sflag:s23] =	ssyncset.done $0x0  }
0xa1: {  	[sflag:s23] =	ssyncadd.s32 s5;
	_ =	sdelay $0x1  }
0xa2: {  	s24 =	simm.s32 $0x1B8B  }
0xa3: {  	_ =	swait.ge [sflag:s24], $0x1  }
0xa4: {  	[sflag:s24] =	ssyncset.done $0x0  }
0xa5: {  	s25 =	simm.s32 $0x1B8E;
	[sflag:s24] =	ssyncadd.s32 $0xFFFFFFFF  }
0xa6: {  	s26 =	simm.s32 $execute0_lowered;
	[smem:$0x3FD2] =	sst s25  }
0xa7: {  	s5 =	sshll.u32 s26, $0x1;
	_ =	strace $0x80000046;
	[dreg:$0x1] =	wrdreg $0xFFFFFFFF  }
0xa8: {  	s28 =	simm.s32 $_size_execute0_lowered;
	s4 =	sadd.s32 s4, s5;
	[dreg:$0x0] =	wrdreg $0x0  }
0xa9: {  	s5 =	sshll.u32 s28, $0x1;
	[dreg:$0x2] =	wrdreg s4  }
0xaa: {  	[dreg:$0x3] =	wrdreg s5  }
0xab: {  	[dreg:$0x4] =	wrdreg $0xC0  }
0xac: {  	_ =	task [dreg:s8], $0x5FFFF  }
0xad: {  	[dreg:$0x1] =	wrdreg $0xFFFFFFFF  }
0xae: {  	[dreg:$0x0] =	wrdreg $0x60  }
0xaf: {  	[dreg:$0x2] =	wrdreg s2  }
0xb0: {  	[dreg:$0x3] =	wrdreg s19  }
0xb1: {  	[dreg:$0x4] =	wrdreg $0x9  }
0xb2: {  	_ =	task.clear_ibuf [dreg:s8], $0x5FFFF;
	_ =	strace $0x90000046  }
0xb3: {  	s29 =	simm.s32 $0x9;
	_ =	strace $0x80000048  }
0xb4: {  	_ =	swait.ge [sflag:s29], $0x1  }
0xb5: {  	[sflag:s29] =	ssyncadd.s32 $0xFFFFFFFF  }
0xb6: {  	_ =	strace $0x90000048  }
0xb7: {  	_ =	sfence  }
0xb8: {  	s30 =	sld [smem:$0x0];
	_ =	sdelay $0x2  }
0xb9: {  	s31 =	sshll.u32 s1, $0xD;
	s1 =	sshrl.u32 s1, $0x2  }
0xba: {  	s3 =	sand.u32 $0x4000, s31;
	s1 =	sadd.s32 s1, s30  }
0xbb: {  	s0 =	sor.u32 s3, s0;
	s1 =	sshll.u32 s1, $0x11  }
0xbc: {  	s0 =	sor.u32 s1, s0  }
0xbd: {  	s0 =	sadd.s32 $0x8F2B, s0  }
0xbe: {  	[sflag:s0] =	ssyncadd.remote.s32 $0x1  }
0xbf: {  	_ =	sfence.sel $0xFFFF  }
0xc0: {  	[dreg:$0x0] =	wrdreg $0xFFFFFFFF;
	(pc) =	sbr.abs _section_cstart, $3  }
0xc1: {  	[dreg:$0x1] =	wrdreg $0xFFFFFFFF  }
0xc2: {  	_ =	task.clear_ibuf [dreg:s8], $0x2FFFF;
	_ =	strace $0x9FFFFFFF  }
0xc3: {  	(tm) =	ssettm $0x7FFFFFFF  }
tec
execute0_lowered:
.L_overlay_start_1:
0x0: {  	(tag) =	ssettag $0x1  }
0x1: {  	s2 =	rddreg [dreg:$0x0]  }
0x2: {  	s4 =	rddreg [dreg:$0x1];
	s3 =	srdreg.scid  }
0x3: {  	s0 =	rddreg [dreg:$0x2];
	s1 =	stileid.u32;
	s13 =	simm.s32 $0x2  }
0x4: {  	s14 =	simm.s32 $0x1;
	s15 =	simm.s32 $0x0;
	s5 =	sand.u32 $0x1, s3  }
0x5: {  	s3 =	simm.s32 $0x0;
	s6 =	sshll.u32 s1, $0xF;
	s7 =	sshll.u32 s5, $0xE  }
0x6: {  	[smem:$0x7FF] =	sst s3;
	s5 =	ssub.s32 $0x2, s5;
	s6 =	sor.u32 s7, s6  }
0x7: {  	_ =	strace $0x80000047;
	s31 =	sshrl.u32 s5, $0x1;
	s4 =	sadd.s32 s4, s6  }
0x8: {  	s12 =	ssub.s32 s5, s31;
	s5 =	sadd.s32 $0x800, s4;
	s6 =	sadd.s32 $0x1000, s4  }
0x9: {  	s7 =	sadd.s32 $0x1800, s4;
	s8 =	sadd.s32 $0x2000, s4;
	s9 =	sadd.s32 $0x2800, s4  }
0xa: {  	s10 =	sadd.s32 $0x3000, s4;
	s11 =	sadd.s32 $0x3800, s4;
	s12 =	smax.u32 s12, $0x1  }
.LBB2_1:
0xb: {  	[tilespmem:s3], [sflag:$0x2] =	stream.linear.gather [hbm4b:s2+s3], $0x100, $0x38;
	[tilespmem:$0x4000] =	vst v63  }
0xc: {  	_ =	swait.ge [sflag:s13], $0x100  }
0xd: {  	[sflag:s13] =	ssyncset.done $0x0  }
0xe: {  	[sflag:s13] =	ssyncadd.s32 $0xFFFFFF00  }
0xf: {  	v0 =	vld [tilespmem:$0x0]  }
0x10: {  	v1 =	vld [tilespmem:$0x10]  }
0x11: {  	v2 =	vld [tilespmem:$0x20]  }
0x12: {  	v3 =	vld [tilespmem:$0x30]  }
0x13: {  	v4 =	vld [tilespmem:$0x40]  }
0x14: {  	v5 =	vld [tilespmem:$0x50]  }
0x15: {  	v6 =	vld [tilespmem:$0x60]  }
0x16: {  	v7 =	vld [tilespmem:$0x70]  }
0x17: {  	v8 =	vld [tilespmem:$0x80]  }
0x18: {  	v9 =	vld [tilespmem:$0x90]  }
0x19: {  	v10 =	vld [tilespmem:$0xA0]  }
0x1a: {  	v15 =	vld [tilespmem:$0xF0]  }
0x1b: {  	v11 =	vld [tilespmem:$0xB0]  }
0x1c: {  	v12 =	vld [tilespmem:$0xC0]  }
0x1d: {  	v13 =	vld [tilespmem:$0xD0]  }
0x1e: {  	s16 =	simm.s32 $0x0;
	s17 =	simm.s32 $0x400;
	v14 =	vld [tilespmem:$0xE0]  }
.LBB2_2:
0x1f: {  	p0 =	sne.s32 s17, $0xF800;
	[tilespmem:s16+$0x1F0] =	vst v15  }
0x20: {  	[tilespmem:s16+$0x100] =	vst v0  }
0x21: {  	[tilespmem:s16+$0x110] =	vst v1  }
0x22: {  	[tilespmem:s16+$0x120] =	vst v2  }
0x23: {  	[tilespmem:s16+$0x130] =	vst v3  }
0x24: {  	[tilespmem:s16+$0x140] =	vst v4  }
0x25: {  	[tilespmem:s16+$0x150] =	vst v5  }
0x26: {  	[tilespmem:s16+$0x160] =	vst v6  }
0x27: {  	[tilespmem:s16+$0x170] =	vst v7  }
0x28: {  	[tilespmem:s16+$0x180] =	vst v8  }
0x29: {  	[tilespmem:s16+$0x190] =	vst v9  }
.Ltmp0:
0x2a: {  	[tilespmem:s16+$0x1A0] =	vst v10;
	(pc) =	sbr.rel @p0 .LBB2_2-.Ltmp0, $4  }
0x2b: {  	[tilespmem:s16+$0x1B0] =	vst v11  }
0x2c: {  	[tilespmem:s16+$0x1C0] =	vst v12  }
0x2d: {  	[tilespmem:s16+$0x1D0] =	vst v13  }
0x2e: {  	[tilespmem:s16+$0x1E0] =	vst v14;
	s16 =	sshra.s32 s17, $0x2;
	s17 =	sadd.s32 $0x400, s17  }
0x2f: {  	[tilespmem:s16+$0x1F0] =	vst v15  }
0x30: {  	[tilespmem:s16+$0x100] =	vst v0  }
0x31: {  	[tilespmem:s16+$0x110] =	vst v1  }
0x32: {  	[tilespmem:s16+$0x120] =	vst v2  }
0x33: {  	[tilespmem:s16+$0x130] =	vst v3  }
0x34: {  	[tilespmem:s16+$0x140] =	vst v4  }
0x35: {  	[tilespmem:s16+$0x150] =	vst v5  }
0x36: {  	[tilespmem:s16+$0x160] =	vst v6  }
0x37: {  	[tilespmem:s16+$0x170] =	vst v7  }
0x38: {  	[tilespmem:s16+$0x180] =	vst v8  }
0x39: {  	[tilespmem:s16+$0x190] =	vst v9  }
0x3a: {  	[tilespmem:s16+$0x1A0] =	vst v10  }
0x3b: {  	[tilespmem:s16+$0x1B0] =	vst v11  }
0x3c: {  	[tilespmem:s16+$0x1C0] =	vst v12  }
0x3d: {  	[tilespmem:s16+$0x1D0] =	vst v13  }
0x3e: {  	[tilespmem:s16+$0x1E0] =	vst v14  }
0x3f: {  	[hbm4b:s4+s3] =	stream.linear.scatter [tilespmem:s3], [sflag:$0x1], $0x4000, $0x38;
	[tilespmem:$0x4000] =	vst v63  }
0x40: {  	_ = 	snop  }
0x41: {  	[hbm4b:s5+s3] =	stream.linear.scatter [tilespmem:s3], [sflag:$0x1], $0x4000, $0x38;
	[tilespmem:$0x4000] =	vst v63  }
0x42: {  	_ = 	snop  }
0x43: {  	[hbm4b:s6+s3] =	stream.linear.scatter [tilespmem:s3], [sflag:$0x1], $0x4000, $0x38;
	[tilespmem:$0x4000] =	vst v63  }
0x44: {  	_ = 	snop  }
0x45: {  	[hbm4b:s7+s3] =	stream.linear.scatter [tilespmem:s3], [sflag:$0x1], $0x4000, $0x38;
	[tilespmem:$0x4000] =	vst v63  }
0x46: {  	_ = 	snop  }
0x47: {  	[hbm4b:s8+s3] =	stream.linear.scatter [tilespmem:s3], [sflag:$0x1], $0x4000, $0x38;
	[tilespmem:$0x4000] =	vst v63  }
0x48: {  	_ = 	snop  }
0x49: {  	[hbm4b:s9+s3] =	stream.linear.scatter [tilespmem:s3], [sflag:$0x1], $0x4000, $0x38;
	[tilespmem:$0x4000] =	vst v63  }
0x4a: {  	_ = 	snop  }
0x4b: {  	[hbm4b:s10+s3] =	stream.linear.scatter [tilespmem:s3], [sflag:$0x1], $0x4000, $0x38;
	[tilespmem:$0x4000] =	vst v63  }
0x4c: {  	_ = 	snop  }
0x4d: {  	[hbm4b:s11+s3] =	stream.linear.scatter [tilespmem:s3], [sflag:$0x1], $0x4000, $0x38;
	[tilespmem:$0x4000] =	vst v63  }
0x4e: {  	_ =	swait.ge [sflag:s14], $0x4000  }
0x4f: {  	[sflag:s14] =	ssyncset.done $0x0  }
0x50: {  	[sflag:s14] =	ssyncadd.s32 $0xFFFFC000  }
0x51: {  	_ =	swait.ge [sflag:s14], $0x4000  }
0x52: {  	[sflag:s14] =	ssyncset.done $0x0  }
0x53: {  	[sflag:s14] =	ssyncadd.s32 $0xFFFFC000  }
0x54: {  	_ =	swait.ge [sflag:s14], $0x4000  }
0x55: {  	[sflag:s14] =	ssyncset.done $0x0  }
0x56: {  	[sflag:s14] =	ssyncadd.s32 $0xFFFFC000  }
0x57: {  	_ =	swait.ge [sflag:s14], $0x4000  }
0x58: {  	[sflag:s14] =	ssyncset.done $0x0  }
0x59: {  	[sflag:s14] =	ssyncadd.s32 $0xFFFFC000  }
0x5a: {  	_ =	swait.ge [sflag:s14], $0x4000  }
0x5b: {  	[sflag:s14] =	ssyncset.done $0x0  }
0x5c: {  	[sflag:s14] =	ssyncadd.s32 $0xFFFFC000  }
0x5d: {  	_ =	swait.ge [sflag:s14], $0x4000  }
0x5e: {  	[sflag:s14] =	ssyncset.done $0x0  }
0x5f: {  	s15 =	sadd.s32 $0x1, s15;
	[sflag:s14] =	ssyncadd.s32 $0xFFFFC000  }
0x60: {  	p0 =	sne.s32 s15, s12;
	_ =	swait.ge [sflag:s14], $0x4000  }
.Ltmp1:
0x61: {  	[sflag:s14] =	ssyncset.done $0x0;
	(pc) =	sbr.rel @p0 .LBB2_1-.Ltmp1, $4  }
0x62: {  	[sflag:s14] =	ssyncadd.s32 $0xFFFFC000  }
0x63: {  	_ =	swait.ge [sflag:s14], $0x4000  }
0x64: {  	[sflag:s14] =	ssyncset.done $0x0  }
0x65: {  	[sflag:s14] =	ssyncadd.s32 $0xFFFFC000  }
0x66: {  	_ =	sfence.sel $0x180000  }
0x67: {  	[bflag:$0x0] =	sbarrier.arrive $0xFFFF  }
0x68: {  	p0 =	sne.s32 s1, $0x0;
	_ =	strace $0x90000047  }
0x69: {  	s0 =	sadd.s32 @!p0 $0x100000, s0;
	[bflag:$0x2] =	sbarrier.arrive $0xFFFF  }
0x6a: {  	[sflag:s0] =	ssyncadd.tile.s32 @!p0 $0x1;
	_ =	shalt  }
.Lfunc_end2:
_tile_overlayer_lowered:
.L_overlay_start_2:
0x6b: {  	(tag) =	ssettag $0x2  }
0x6c: {  	s0 =	rddreg [dreg:$0x0];
	s2 =	stileid.u32  }
0x6d: {  	s1 =	rddreg [dreg:$0x1];
	p0 =	sne.s32 s2, $0x0  }
0x6e: {  	s3 =	rddreg [dreg:$0x2];
	[bflag:$0x3] =	sbarrier.arrive $0xFFFF;
	s2 =	simm.s32 @!p0 $0x1C02  }
0x6f: {  	[timem:s3], [sflag:s2] =	dma.local @!p0 [hbm:s0], s1  }
0x70: {  	s0 =	simm.s32 @!p0 $0x2  }
0x71: {  	_ =	swait.ge @!p0 [sflag:s0], s1  }
0x72: {  	s1 =	ssub.s32 @!p0 $0x0, s1;
	[sflag:s0] =	ssyncset.done @!p0 $0x0  }
0x73: {  	[sflag:s0] =	ssyncadd.s32 @!p0 s1  }
0x74: {  	[bflag:$0x3] =	sbarrier.arrive $0xFFFF  }
0x75: {  	_ =	shalt  }

</sc_bundles>
